<compile_context>
chip_gen: v7x
topology: tpu7x:2x2x1
jax: 0.10.2.dev20260603
libtpu: 0.0.44.dev20260713+nightly
codegen_flags: <defaults>
</compile_context>

<pallas_src>
import functools

import jax
import jax.numpy as jnp
import numpy as np
from jax import lax
from jax.experimental import pallas as pl
from jax.experimental.pallas import tpu as pltpu
from jax.experimental.pallas import tpu_sc as plsc

_TAU = 0.9
_SC_ITERS = 28
_ROWS = 128
_N = 32768
_NW = 32
_RPW = _ROWS // _NW
_VPR = _N // 16


_GDN = lax.GatherDimensionNumbers(
    offset_dims=(), collapsed_slice_dims=(0,), start_index_map=(0,)
)


def _shuffle(v, perm):
    return lax.gather(
        v,
        perm[:, None],
        dimension_numbers=_GDN,
        slice_sizes=(1,),
        mode=lax.GatherScatterMode.PROMISE_IN_BOUNDS,
    )


def _allreduce(v, op):
    iota = lax.iota(jnp.int32, 16)
    for shift in (8, 4, 2, 1):
        v = op(v, _shuffle(v, (iota + shift) & 15))
    return v


def _row_kernel(z_hbm, out_hbm, z_v, e_v):
    wid = lax.axis_index("s") * 2 + lax.axis_index("c")

    def do_row(r, _):
        row = wid * _RPW + r
        pltpu.sync_copy(z_hbm.at[row], z_v)

        def maxbody(i, acc):
            return jnp.maximum(acc, z_v[pl.ds(i * 16, 16)])

        mvec = lax.fori_loop(
            0, _VPR, maxbody, jnp.full((16,), -jnp.inf, jnp.float32)
        )
        m = _allreduce(mvec, jnp.maximum)

        def expbody(i, acc):
            ev = jnp.exp(z_v[pl.ds(i * 16, 16)] - m)
            e_v[pl.ds(i * 16, 16)] = ev
            return acc + ev

        svec = lax.fori_loop(0, _VPR, expbody, jnp.zeros((16,), jnp.float32))
        s = _allreduce(svec, jnp.add)
        target = _TAU * s

        lo0 = lax.bitcast_convert_type(
            s * np.float32((1.0 - _TAU) / 65536.0), jnp.int32
        )
        hi0 = jnp.full((16,), 0x3F800001, jnp.int32)

        def bisect(_, carry):
            lo, hi = carry
            mid = (lo & hi) + ((lo ^ hi) >> 1)
            mid_f = lax.bitcast_convert_type(mid, jnp.float32)

            def gbody(i, acc):
                ev = e_v[pl.ds(i * 16, 16)]
                return acc + jnp.where(ev >= mid_f, ev, 0.0)

            gvec = lax.fori_loop(0, _VPR, gbody, jnp.zeros((16,), jnp.float32))
            g = _allreduce(gvec, jnp.add)
            pred = g >= target
            return jnp.where(pred, mid, lo), jnp.where(pred, hi, mid)

        lo, _hi = lax.fori_loop(0, _SC_ITERS, bisect, (lo0, hi0))
        lo_f = lax.bitcast_convert_type(lo, jnp.float32)

        def thbody(i, acc):
            ev = e_v[pl.ds(i * 16, 16)]
            return jnp.maximum(acc, jnp.where(ev <= lo_f, ev, 0.0))

        tvec = lax.fori_loop(0, _VPR, thbody, jnp.zeros((16,), jnp.float32))
        theta = _allreduce(tvec, jnp.maximum)

        def outbody(i, _):
            sl = pl.ds(i * 16, 16)
            ev = e_v[sl]
            zv = z_v[sl]
            z_v[sl] = jnp.where(ev >= theta, jnp.maximum(zv, 0.0), 0.0)
            return 0

        lax.fori_loop(0, _VPR, outbody, 0)
        pltpu.sync_copy(z_v, out_hbm.at[row])
        return 0

    lax.fori_loop(0, _RPW, do_row, 0)


@jax.jit
def kernel(z):
    mesh = plsc.VectorSubcoreMesh(core_axis_name="c", subcore_axis_name="s")
    f = pl.kernel(
        _row_kernel,
        mesh=mesh,
        out_type=jax.ShapeDtypeStruct((_ROWS, _N), jnp.float32),
        scratch_types=[
            pltpu.VMEM((_N,), jnp.float32),
            pltpu.VMEM((_N,), jnp.float32),
        ],
    )
    return f(z)

# --- scband reference (transcript-rebuilt; emitter-appended) ---
"""Pipeline reference for scband-adaptive-top-ksoftmax-21766894256428 (READ-ONLY COPY).

The authoritative reference and input builder live on the scoring server;
editing this copy changes nothing except your own understanding.
"""

import jax, jax.numpy as jnp
import numpy as np

TAU = 0.9


def setup_inputs(seed: int = 0) -> dict:
    key = jax.random.key(seed)
    z = jax.random.normal(key, (128, 32768), dtype=jnp.float32)
    return {"z": z}


def reference(z):
    # p = softmax(z)
    p = jax.nn.softmax(z, axis=-1)
    # descending sort of p, keeping indices (torch.sort(..., descending=True))
    order = jnp.argsort(-p, axis=-1)
    p_sorted = jnp.take_along_axis(p, order, axis=-1)
    # CDF and smallest k with cdf >= tau
    cdf = jnp.cumsum(p_sorted, axis=-1)
    k_per_sample = jnp.argmax((cdf >= TAU).astype(jnp.int32), axis=-1) + 1
    k_per_sample = jnp.clip(k_per_sample, 1, z.shape[-1])
    # rank of each original position within the descending order
    ranks = jnp.argsort(order, axis=-1)
    mask = (ranks < k_per_sample[:, None]).astype(jnp.float32)
    mask = jax.lax.stop_gradient(mask)
    return jax.nn.relu(z) * mask

if __name__ == "__main__":
    import jax
    _d = setup_inputs()
    print(jax.jit(kernel)(*tuple(_d.values())))

</pallas_src>

<mosaic_0001>
#map = affine_map<(d0, d1) -> (0, 0)>
module attributes {stable_mosaic.version = 14 : i64} {
  func.func @_row_kernel(%arg0: i32, %arg1: i32, %arg2: memref<128x32768xf32, #tpu.memory_space<hbm>>, %arg3: memref<128x32768xf32, #tpu.memory_space<hbm>>, %arg4: memref<32768xf32, #tpu.memory_space<vmem>>, %arg5: memref<32768xf32, #tpu.memory_space<vmem>>) attributes {dimension_semantics = [#tpu.dimension_semantics<core_parallel>, #tpu.dimension_semantics<subcore_parallel>], iteration_bounds = array<i64: 2, 16>, scalar_prefetch = 0 : i64, scratch_operands = 2 : i64, tpu.core_type = #tpu.core_type<sc_vector_subcore>, window_params = [{transform_indices = #map}, {transform_indices = #map}]} {
    %mul3A = arith.constant 2 : i32
    %mul3A_0 = arith.muli %arg1, %mul3A : i32
    %add3A = arith.addi %mul3A_0, %arg0 : i32
    %scan3A = arith.constant 0 : i32
    %scan3A_1 = arith.constant 0 : i32
    %scan3A_2 = arith.constant 4 : i32
    %scan3A_3 = arith.addi %scan3A_1, %scan3A_2 : i32
    %scan3A_4 = arith.constant 1 : i32
    %scan3A_5 = scf.for %scan3A_7 = %scan3A_1 to %scan3A_3 step %scan3A_4 iter_args(%scan3A_8 = %scan3A) -> (i32)  : i32 {
      %mul3A_9 = arith.constant 4 : i32
      %mul3A_10 = arith.muli %add3A, %mul3A_9 : i32
      %add3A_11 = arith.addi %mul3A_10, %scan3A_7 : i32
      "tpu.region"() ({
        %run_scoped3A = tpu.sem_alloc : memref<!tpu.dma_semaphore, #tpu.memory_space<semaphore_mem>>
        %dma_start3A = arith.constant 0 : i32
        %dma_start3A_177 = tpu.memref_slice %arg2[%add3A_11, %dma_start3A] : memref<128x32768xf32, #tpu.memory_space<hbm>> -> memref<1x32768xf32, #tpu.memory_space<hbm>>
        %dma_start3A_178 = tpu.memref_squeeze %dma_start3A_177 : memref<1x32768xf32, #tpu.memory_space<hbm>> -> memref<32768xf32, #tpu.memory_space<hbm>>
        %dma_start3A_179 = arith.constant 0 : i32
        %dma_start3A_180 = tpu.memref_slice %arg2[%add3A_11, %dma_start3A_179] : memref<128x32768xf32, #tpu.memory_space<hbm>> -> memref<1x32768xf32, #tpu.memory_space<hbm>>
        %dma_start3A_181 = tpu.memref_squeeze %dma_start3A_180 : memref<1x32768xf32, #tpu.memory_space<hbm>> -> memref<32768xf32, #tpu.memory_space<hbm>>
        tpu.enqueue_dma source(%dma_start3A_181 : memref<32768xf32, #tpu.memory_space<hbm>>) target(%arg4 : memref<32768xf32, #tpu.memory_space<vmem>>) target_semaphore(%run_scoped3A : memref<!tpu.dma_semaphore, #tpu.memory_space<semaphore_mem>>)
        %dma_wait3A = arith.constant 0 : i32
        %dma_wait3A_182 = tpu.memref_slice %arg2[%add3A_11, %dma_wait3A] : memref<128x32768xf32, #tpu.memory_space<hbm>> -> memref<1x32768xf32, #tpu.memory_space<hbm>>
        %dma_wait3A_183 = tpu.memref_squeeze %dma_wait3A_182 : memref<1x32768xf32, #tpu.memory_space<hbm>> -> memref<32768xf32, #tpu.memory_space<hbm>>
        %dma_wait3A_184 = arith.constant 0 : i32
        %dma_wait3A_185 = tpu.memref_slice %arg2[%add3A_11, %dma_wait3A_184] : memref<128x32768xf32, #tpu.memory_space<hbm>> -> memref<1x32768xf32, #tpu.memory_space<hbm>>
        %dma_wait3A_186 = tpu.memref_squeeze %dma_wait3A_185 : memref<1x32768xf32, #tpu.memory_space<hbm>> -> memref<32768xf32, #tpu.memory_space<hbm>>
        tpu.wait_dma2 semaphore(%run_scoped3A : memref<!tpu.dma_semaphore, #tpu.memory_space<semaphore_mem>>) src(%dma_wait3A_186 : memref<32768xf32, #tpu.memory_space<hbm>>) dst(%arg4 : memref<32768xf32, #tpu.memory_space<vmem>>)
        tpu.yield
      }) : () -> ()
      %broadcast_in_dim3A = arith.constant 0xFF800000 : f32
      %broadcast_in_dim3A_12 = vector.broadcast %broadcast_in_dim3A : f32 to vector<16xf32>
      %scan3A_13 = arith.constant 0 : i32
      %scan3A_14 = arith.constant 2048 : i32
      %scan3A_15 = arith.addi %scan3A_13, %scan3A_14 : i32
      %scan3A_16 = arith.constant 1 : i32
      %scan3A_17 = scf.for %scan3A_177 = %scan3A_13 to %scan3A_15 step %scan3A_16 iter_args(%scan3A_178 = %broadcast_in_dim3A_12) -> (vector<16xf32>)  : i32 {
        %mul3A_179 = arith.constant 16 : i32
        %mul3A_180 = arith.muli %scan3A_177, %mul3A_179 : i32
        %get3A = arith.index_cast %mul3A_180 : i32 to index
        %get3A_181 = tpu.vector_load %arg4[%get3A] {strides = array<i32>} : memref<32768xf32, #tpu.memory_space<vmem>>, vector<16xf32>,
        %get3A_182 = vector.shape_cast %get3A_181 : vector<16xf32> to vector<16xf32>
        %max3A_183 = arith.maximumf %scan3A_178, %get3A_182 : vector<16xf32>
        scf.yield %max3A_183 : vector<16xf32>
      }
      %scan3A_18 = arith.constant 2048 : i32
      %iota3A = tpu.iota {dimensions = array<i32: 0>} : vector<16xi32>
      %add3A_19 = arith.constant 8 : i32
      %add3A_20 = vector.broadcast %add3A_19 : i32 to vector<16xi32>
      %add3A_21 = arith.addi %iota3A, %add3A_20 : vector<16xi32>
      %and3A = arith.constant 15 : i32
      %and3A_22 = vector.broadcast %and3A : i32 to vector<16xi32>
      %and3A_23 = arith.andi %add3A_21, %and3A_22 : vector<16xi32>
      %broadcast_in_dim3A_24 = vector.shape_cast %and3A_23 : vector<16xi32> to vector<16x1xi32>
      %gather3A = vector.shape_cast %broadcast_in_dim3A_24 : vector<16x1xi32> to vector<16xi32>
      %gather3A_25 = tpu.dynamic_gather %scan3A_17[%gather3A] in [0] : vector<16xf32>, vector<16xi32> -> vector<16xf32>
      %max3A = arith.maximumf %scan3A_17, %gather3A_25 : vector<16xf32>
      %add3A_26 = arith.constant 4 : i32
      %add3A_27 = vector.broadcast %add3A_26 : i32 to vector<16xi32>
      %add3A_28 = arith.addi %iota3A, %add3A_27 : vector<16xi32>
      %and3A_29 = arith.constant 15 : i32
      %and3A_30 = vector.broadcast %and3A_29 : i32 to vector<16xi32>
      %and3A_31 = arith.andi %add3A_28, %and3A_30 : vector<16xi32>
      %broadcast_in_dim3A_32 = vector.shape_cast %and3A_31 : vector<16xi32> to vector<16x1xi32>
      %gather3A_33 = vector.shape_cast %broadcast_in_dim3A_32 : vector<16x1xi32> to vector<16xi32>
      %gather3A_34 = tpu.dynamic_gather %max3A[%gather3A_33] in [0] : vector<16xf32>, vector<16xi32> -> vector<16xf32>
      %max3A_35 = arith.maximumf %max3A, %gather3A_34 : vector<16xf32>
      %add3A_36 = arith.constant 2 : i32
      %add3A_37 = vector.broadcast %add3A_36 : i32 to vector<16xi32>
      %add3A_38 = arith.addi %iota3A, %add3A_37 : vector<16xi32>
      %and3A_39 = arith.constant 15 : i32
      %and3A_40 = vector.broadcast %and3A_39 : i32 to vector<16xi32>
      %and3A_41 = arith.andi %add3A_38, %and3A_40 : vector<16xi32>
      %broadcast_in_dim3A_42 = vector.shape_cast %and3A_41 : vector<16xi32> to vector<16x1xi32>
      %gather3A_43 = vector.shape_cast %broadcast_in_dim3A_42 : vector<16x1xi32> to vector<16xi32>
      %gather3A_44 = tpu.dynamic_gather %max3A_35[%gather3A_43] in [0] : vector<16xf32>, vector<16xi32> -> vector<16xf32>
      %max3A_45 = arith.maximumf %max3A_35, %gather3A_44 : vector<16xf32>
      %add3A_46 = arith.constant 1 : i32
      %add3A_47 = vector.broadcast %add3A_46 : i32 to vector<16xi32>
      %add3A_48 = arith.addi %iota3A, %add3A_47 : vector<16xi32>
      %and3A_49 = arith.constant 15 : i32
      %and3A_50 = vector.broadcast %and3A_49 : i32 to vector<16xi32>
      %and3A_51 = arith.andi %add3A_48, %and3A_50 : vector<16xi32>
      %broadcast_in_dim3A_52 = vector.shape_cast %and3A_51 : vector<16xi32> to vector<16x1xi32>
      %gather3A_53 = vector.shape_cast %broadcast_in_dim3A_52 : vector<16x1xi32> to vector<16xi32>
      %gather3A_54 = tpu.dynamic_gather %max3A_45[%gather3A_53] in [0] : vector<16xf32>, vector<16xi32> -> vector<16xf32>
      %max3A_55 = arith.maximumf %max3A_45, %gather3A_54 : vector<16xf32>
      %broadcast_in_dim3A_56 = arith.constant 0.000000e+00 : f32
      %broadcast_in_dim3A_57 = vector.broadcast %broadcast_in_dim3A_56 : f32 to vector<16xf32>
      %scan3A_58 = arith.constant 0 : i32
      %scan3A_59 = arith.constant 2048 : i32
      %scan3A_60 = arith.addi %scan3A_58, %scan3A_59 : i32
      %scan3A_61 = arith.constant 1 : i32
      %scan3A_62 = scf.for %scan3A_177 = %scan3A_58 to %scan3A_60 step %scan3A_61 iter_args(%scan3A_178 = %broadcast_in_dim3A_57) -> (vector<16xf32>)  : i32 {
        %mul3A_179 = arith.constant 16 : i32
        %mul3A_180 = arith.muli %scan3A_177, %mul3A_179 : i32
        %get3A = arith.index_cast %mul3A_180 : i32 to index
        %get3A_181 = tpu.vector_load %arg4[%get3A] {strides = array<i32>} : memref<32768xf32, #tpu.memory_space<vmem>>, vector<16xf32>,
        %get3A_182 = vector.shape_cast %get3A_181 : vector<16xf32> to vector<16xf32>
        %sub3A = arith.subf %get3A_182, %max3A_55 : vector<16xf32>
        %exp3A = math.exp %sub3A : vector<16xf32>
        %mul3A_183 = arith.constant 16 : i32
        %mul3A_184 = arith.muli %scan3A_177, %mul3A_183 : i32
        %swap3A = arith.index_cast %mul3A_184 : i32 to index
        %swap3A_185 = tpu.vector_load %arg5[%swap3A] {strides = array<i32>} : memref<32768xf32, #tpu.memory_space<vmem>>, vector<16xf32>,
        %swap3A_186 = vector.shape_cast %swap3A_185 : vector<16xf32> to vector<16xf32>
        %swap3A_187 = vector.shape_cast %exp3A : vector<16xf32> to vector<16xf32>
        tpu.vector_store %arg5[%swap3A], %swap3A_187 {strides = array<i32>} : memref<32768xf32, #tpu.memory_space<vmem>>, vector<16xf32>,
        %add3A_188 = arith.addf %scan3A_178, %exp3A : vector<16xf32>
        scf.yield %add3A_188 : vector<16xf32>
      }
      %scan3A_63 = arith.constant 2048 : i32
      %iota3A_64 = tpu.iota {dimensions = array<i32: 0>} : vector<16xi32>
      %add3A_65 = arith.constant 8 : i32
      %add3A_66 = vector.broadcast %add3A_65 : i32 to vector<16xi32>
      %add3A_67 = arith.addi %iota3A_64, %add3A_66 : vector<16xi32>
      %and3A_68 = arith.constant 15 : i32
      %and3A_69 = vector.broadcast %and3A_68 : i32 to vector<16xi32>
      %and3A_70 = arith.andi %add3A_67, %and3A_69 : vector<16xi32>
      %broadcast_in_dim3A_71 = vector.shape_cast %and3A_70 : vector<16xi32> to vector<16x1xi32>
      %gather3A_72 = vector.shape_cast %broadcast_in_dim3A_71 : vector<16x1xi32> to vector<16xi32>
      %gather3A_73 = tpu.dynamic_gather %scan3A_62[%gather3A_72] in [0] : vector<16xf32>, vector<16xi32> -> vector<16xf32>
      %add3A_74 = arith.addf %scan3A_62, %gather3A_73 : vector<16xf32>
      %add3A_75 = arith.constant 4 : i32
      %add3A_76 = vector.broadcast %add3A_75 : i32 to vector<16xi32>
      %add3A_77 = arith.addi %iota3A_64, %add3A_76 : vector<16xi32>
      %and3A_78 = arith.constant 15 : i32
      %and3A_79 = vector.broadcast %and3A_78 : i32 to vector<16xi32>
      %and3A_80 = arith.andi %add3A_77, %and3A_79 : vector<16xi32>
      %broadcast_in_dim3A_81 = vector.shape_cast %and3A_80 : vector<16xi32> to vector<16x1xi32>
      %gather3A_82 = vector.shape_cast %broadcast_in_dim3A_81 : vector<16x1xi32> to vector<16xi32>
      %gather3A_83 = tpu.dynamic_gather %add3A_74[%gather3A_82] in [0] : vector<16xf32>, vector<16xi32> -> vector<16xf32>
      %add3A_84 = arith.addf %add3A_74, %gather3A_83 : vector<16xf32>
      %add3A_85 = arith.constant 2 : i32
      %add3A_86 = vector.broadcast %add3A_85 : i32 to vector<16xi32>
      %add3A_87 = arith.addi %iota3A_64, %add3A_86 : vector<16xi32>
      %and3A_88 = arith.constant 15 : i32
      %and3A_89 = vector.broadcast %and3A_88 : i32 to vector<16xi32>
      %and3A_90 = arith.andi %add3A_87, %and3A_89 : vector<16xi32>
      %broadcast_in_dim3A_91 = vector.shape_cast %and3A_90 : vector<16xi32> to vector<16x1xi32>
      %gather3A_92 = vector.shape_cast %broadcast_in_dim3A_91 : vector<16x1xi32> to vector<16xi32>
      %gather3A_93 = tpu.dynamic_gather %add3A_84[%gather3A_92] in [0] : vector<16xf32>, vector<16xi32> -> vector<16xf32>
      %add3A_94 = arith.addf %add3A_84, %gather3A_93 : vector<16xf32>
      %add3A_95 = arith.constant 1 : i32
      %add3A_96 = vector.broadcast %add3A_95 : i32 to vector<16xi32>
      %add3A_97 = arith.addi %iota3A_64, %add3A_96 : vector<16xi32>
      %and3A_98 = arith.constant 15 : i32
      %and3A_99 = vector.broadcast %and3A_98 : i32 to vector<16xi32>
      %and3A_100 = arith.andi %add3A_97, %and3A_99 : vector<16xi32>
      %broadcast_in_dim3A_101 = vector.shape_cast %and3A_100 : vector<16xi32> to vector<16x1xi32>
      %gather3A_102 = vector.shape_cast %broadcast_in_dim3A_101 : vector<16x1xi32> to vector<16xi32>
      %gather3A_103 = tpu.dynamic_gather %add3A_94[%gather3A_102] in [0] : vector<16xf32>, vector<16xi32> -> vector<16xf32>
      %add3A_104 = arith.addf %add3A_94, %gather3A_103 : vector<16xf32>
      %mul3A_105 = arith.constant 0.899999976 : f32
      %mul3A_106 = vector.broadcast %mul3A_105 : f32 to vector<16xf32>
      %mul3A_107 = arith.mulf %mul3A_106, %add3A_104 : vector<16xf32>
      %mul3A_108 = arith.constant 1.52587893E-6 : f32
      %mul3A_109 = vector.broadcast %mul3A_108 : f32 to vector<16xf32>
      %mul3A_110 = arith.mulf %add3A_104, %mul3A_109 : vector<16xf32>
      %bitcast_convert_type3A = tpu.bitcast %mul3A_110 : vector<16xf32> -> vector<16xi32>
      %broadcast_in_dim3A_111 = arith.constant 1065353217 : i32
      %broadcast_in_dim3A_112 = vector.broadcast %broadcast_in_dim3A_111 : i32 to vector<16xi32>
      %scan3A_113 = arith.constant 0 : i32
      %scan3A_114 = arith.constant 28 : i32
      %scan3A_115 = arith.addi %scan3A_113, %scan3A_114 : i32
      %scan3A_116 = arith.constant 1 : i32
      %scan3A_117:2 = scf.for %scan3A_177 = %scan3A_113 to %scan3A_115 step %scan3A_116 iter_args(%scan3A_178 = %bitcast_convert_type3A, %scan3A_179 = %broadcast_in_dim3A_112) -> (vector<16xi32>, vector<16xi32>)  : i32 {
        %and3A_180 = arith.andi %scan3A_178, %scan3A_179 : vector<16xi32>
        %xor3A = arith.xori %scan3A_178, %scan3A_179 : vector<16xi32>
        %shift_right_arithmetic3A = arith.constant 1 : i32
        %shift_right_arithmetic3A_181 = vector.broadcast %shift_right_arithmetic3A : i32 to vector<16xi32>
        %shift_right_arithmetic3A_182 = arith.shrsi %xor3A, %shift_right_arithmetic3A_181 : vector<16xi32>
        %add3A_183 = arith.addi %and3A_180, %shift_right_arithmetic3A_182 : vector<16xi32>
        %bitcast_convert_type3A_184 = tpu.bitcast %add3A_183 : vector<16xi32> -> vector<16xf32>
        %broadcast_in_dim3A_185 = arith.constant 0.000000e+00 : f32
        %broadcast_in_dim3A_186 = vector.broadcast %broadcast_in_dim3A_185 : f32 to vector<16xf32>
        %scan3A_187 = arith.constant 0 : i32
        %scan3A_188 = arith.constant 2048 : i32
        %scan3A_189 = arith.addi %scan3A_187, %scan3A_188 : i32
        %scan3A_190 = arith.constant 1 : i32
        %scan3A_191 = scf.for %scan3A_235 = %scan3A_187 to %scan3A_189 step %scan3A_190 iter_args(%scan3A_236 = %broadcast_in_dim3A_186) -> (vector<16xf32>)  : i32 {
          %mul3A_237 = arith.constant 16 : i32
          %mul3A_238 = arith.muli %scan3A_235, %mul3A_237 : i32
          %get3A = arith.index_cast %mul3A_238 : i32 to index
          %get3A_239 = tpu.vector_load %arg5[%get3A] {strides = array<i32>} : memref<32768xf32, #tpu.memory_space<vmem>>, vector<16xf32>,
          %get3A_240 = vector.shape_cast %get3A_239 : vector<16xf32> to vector<16xf32>
          %ge3A_241 = arith.cmpf oge, %get3A_240, %bitcast_convert_type3A_184 : vector<16xf32>
          %jit3A = arith.constant 0.000000e+00 : f32
          %broadcast_in_dim3A_242 = vector.broadcast %jit3A : f32 to vector<16xf32>
          %select_n3A_243 = arith.select %ge3A_241, %get3A_240, %broadcast_in_dim3A_242 : vector<16xi1>, vector<16xf32>
          %add3A_244 = arith.addf %scan3A_236, %select_n3A_243 : vector<16xf32>
          scf.yield %add3A_244 : vector<16xf32>
        }
        %scan3A_192 = arith.constant 2048 : i32
        %iota3A_193 = tpu.iota {dimensions = array<i32: 0>} : vector<16xi32>
        %add3A_194 = arith.constant 8 : i32
        %add3A_195 = vector.broadcast %add3A_194 : i32 to vector<16xi32>
        %add3A_196 = arith.addi %iota3A_193, %add3A_195 : vector<16xi32>
        %and3A_197 = arith.constant 15 : i32
        %and3A_198 = vector.broadcast %and3A_197 : i32 to vector<16xi32>
        %and3A_199 = arith.andi %add3A_196, %and3A_198 : vector<16xi32>
        %broadcast_in_dim3A_200 = vector.shape_cast %and3A_199 : vector<16xi32> to vector<16x1xi32>
        %gather3A_201 = vector.shape_cast %broadcast_in_dim3A_200 : vector<16x1xi32> to vector<16xi32>
        %gather3A_202 = tpu.dynamic_gather %scan3A_191[%gather3A_201] in [0] : vector<16xf32>, vector<16xi32> -> vector<16xf32>
        %add3A_203 = arith.addf %scan3A_191, %gather3A_202 : vector<16xf32>
        %add3A_204 = arith.constant 4 : i32
        %add3A_205 = vector.broadcast %add3A_204 : i32 to vector<16xi32>
        %add3A_206 = arith.addi %iota3A_193, %add3A_205 : vector<16xi32>
        %and3A_207 = arith.constant 15 : i32
        %and3A_208 = vector.broadcast %and3A_207 : i32 to vector<16xi32>
        %and3A_209 = arith.andi %add3A_206, %and3A_208 : vector<16xi32>
        %broadcast_in_dim3A_210 = vector.shape_cast %and3A_209 : vector<16xi32> to vector<16x1xi32>
        %gather3A_211 = vector.shape_cast %broadcast_in_dim3A_210 : vector<16x1xi32> to vector<16xi32>
        %gather3A_212 = tpu.dynamic_gather %add3A_203[%gather3A_211] in [0] : vector<16xf32>, vector<16xi32> -> vector<16xf32>
        %add3A_213 = arith.addf %add3A_203, %gather3A_212 : vector<16xf32>
        %add3A_214 = arith.constant 2 : i32
        %add3A_215 = vector.broadcast %add3A_214 : i32 to vector<16xi32>
        %add3A_216 = arith.addi %iota3A_193, %add3A_215 : vector<16xi32>
        %and3A_217 = arith.constant 15 : i32
        %and3A_218 = vector.broadcast %and3A_217 : i32 to vector<16xi32>
        %and3A_219 = arith.andi %add3A_216, %and3A_218 : vector<16xi32>
        %broadcast_in_dim3A_220 = vector.shape_cast %and3A_219 : vector<16xi32> to vector<16x1xi32>
        %gather3A_221 = vector.shape_cast %broadcast_in_dim3A_220 : vector<16x1xi32> to vector<16xi32>
        %gather3A_222 = tpu.dynamic_gather %add3A_213[%gather3A_221] in [0] : vector<16xf32>, vector<16xi32> -> vector<16xf32>
        %add3A_223 = arith.addf %add3A_213, %gather3A_222 : vector<16xf32>
        %add3A_224 = arith.constant 1 : i32
        %add3A_225 = vector.broadcast %add3A_224 : i32 to vector<16xi32>
        %add3A_226 = arith.addi %iota3A_193, %add3A_225 : vector<16xi32>
        %and3A_227 = arith.constant 15 : i32
        %and3A_228 = vector.broadcast %and3A_227 : i32 to vector<16xi32>
        %and3A_229 = arith.andi %add3A_226, %and3A_228 : vector<16xi32>
        %broadcast_in_dim3A_230 = vector.shape_cast %and3A_229 : vector<16xi32> to vector<16x1xi32>
        %gather3A_231 = vector.shape_cast %broadcast_in_dim3A_230 : vector<16x1xi32> to vector<16xi32>
        %gather3A_232 = tpu.dynamic_gather %add3A_223[%gather3A_231] in [0] : vector<16xf32>, vector<16xi32> -> vector<16xf32>
        %add3A_233 = arith.addf %add3A_223, %gather3A_232 : vector<16xf32>
        %ge3A = arith.cmpf oge, %add3A_233, %mul3A_107 : vector<16xf32>
        %select_n3A = arith.select %ge3A, %add3A_183, %scan3A_178 : vector<16xi1>, vector<16xi32>
        %select_n3A_234 = arith.select %ge3A, %scan3A_179, %add3A_183 : vector<16xi1>, vector<16xi32>
        scf.yield %select_n3A, %select_n3A_234 : vector<16xi32>, vector<16xi32>
      }
      %scan3A_118 = arith.constant 28 : i32
      %bitcast_convert_type3A_119 = tpu.bitcast %scan3A_117#0 : vector<16xi32> -> vector<16xf32>
      %broadcast_in_dim3A_120 = arith.constant 0.000000e+00 : f32
      %broadcast_in_dim3A_121 = vector.broadcast %broadcast_in_dim3A_120 : f32 to vector<16xf32>
      %scan3A_122 = arith.constant 0 : i32
      %scan3A_123 = arith.constant 2048 : i32
      %scan3A_124 = arith.addi %scan3A_122, %scan3A_123 : i32
      %scan3A_125 = arith.constant 1 : i32
      %scan3A_126 = scf.for %scan3A_177 = %scan3A_122 to %scan3A_124 step %scan3A_125 iter_args(%scan3A_178 = %broadcast_in_dim3A_121) -> (vector<16xf32>)  : i32 {
        %mul3A_179 = arith.constant 16 : i32
        %mul3A_180 = arith.muli %scan3A_177, %mul3A_179 : i32
        %get3A = arith.index_cast %mul3A_180 : i32 to index
        %get3A_181 = tpu.vector_load %arg5[%get3A] {strides = array<i32>} : memref<32768xf32, #tpu.memory_space<vmem>>, vector<16xf32>,
        %get3A_182 = vector.shape_cast %get3A_181 : vector<16xf32> to vector<16xf32>
        %le3A = arith.cmpf ole, %get3A_182, %bitcast_convert_type3A_119 : vector<16xf32>
        %jit3A = arith.constant 0.000000e+00 : f32
        %broadcast_in_dim3A_183 = vector.broadcast %jit3A : f32 to vector<16xf32>
        %select_n3A = arith.select %le3A, %get3A_182, %broadcast_in_dim3A_183 : vector<16xi1>, vector<16xf32>
        %max3A_184 = arith.maximumf %scan3A_178, %select_n3A : vector<16xf32>
        scf.yield %max3A_184 : vector<16xf32>
      }
      %scan3A_127 = arith.constant 2048 : i32
      %iota3A_128 = tpu.iota {dimensions = array<i32: 0>} : vector<16xi32>
      %add3A_129 = arith.constant 8 : i32
      %add3A_130 = vector.broadcast %add3A_129 : i32 to vector<16xi32>
      %add3A_131 = arith.addi %iota3A_128, %add3A_130 : vector<16xi32>
      %and3A_132 = arith.constant 15 : i32
      %and3A_133 = vector.broadcast %and3A_132 : i32 to vector<16xi32>
      %and3A_134 = arith.andi %add3A_131, %and3A_133 : vector<16xi32>
      %broadcast_in_dim3A_135 = vector.shape_cast %and3A_134 : vector<16xi32> to vector<16x1xi32>
      %gather3A_136 = vector.shape_cast %broadcast_in_dim3A_135 : vector<16x1xi32> to vector<16xi32>
      %gather3A_137 = tpu.dynamic_gather %scan3A_126[%gather3A_136] in [0] : vector<16xf32>, vector<16xi32> -> vector<16xf32>
      %max3A_138 = arith.maximumf %scan3A_126, %gather3A_137 : vector<16xf32>
      %add3A_139 = arith.constant 4 : i32
      %add3A_140 = vector.broadcast %add3A_139 : i32 to vector<16xi32>
      %add3A_141 = arith.addi %iota3A_128, %add3A_140 : vector<16xi32>
      %and3A_142 = arith.constant 15 : i32
      %and3A_143 = vector.broadcast %and3A_142 : i32 to vector<16xi32>
      %and3A_144 = arith.andi %add3A_141, %and3A_143 : vector<16xi32>
      %broadcast_in_dim3A_145 = vector.shape_cast %and3A_144 : vector<16xi32> to vector<16x1xi32>
      %gather3A_146 = vector.shape_cast %broadcast_in_dim3A_145 : vector<16x1xi32> to vector<16xi32>
      %gather3A_147 = tpu.dynamic_gather %max3A_138[%gather3A_146] in [0] : vector<16xf32>, vector<16xi32> -> vector<16xf32>
      %max3A_148 = arith.maximumf %max3A_138, %gather3A_147 : vector<16xf32>
      %add3A_149 = arith.constant 2 : i32
      %add3A_150 = vector.broadcast %add3A_149 : i32 to vector<16xi32>
      %add3A_151 = arith.addi %iota3A_128, %add3A_150 : vector<16xi32>
      %and3A_152 = arith.constant 15 : i32
      %and3A_153 = vector.broadcast %and3A_152 : i32 to vector<16xi32>
      %and3A_154 = arith.andi %add3A_151, %and3A_153 : vector<16xi32>
      %broadcast_in_dim3A_155 = vector.shape_cast %and3A_154 : vector<16xi32> to vector<16x1xi32>
      %gather3A_156 = vector.shape_cast %broadcast_in_dim3A_155 : vector<16x1xi32> to vector<16xi32>
      %gather3A_157 = tpu.dynamic_gather %max3A_148[%gather3A_156] in [0] : vector<16xf32>, vector<16xi32> -> vector<16xf32>
      %max3A_158 = arith.maximumf %max3A_148, %gather3A_157 : vector<16xf32>
      %add3A_159 = arith.constant 1 : i32
      %add3A_160 = vector.broadcast %add3A_159 : i32 to vector<16xi32>
      %add3A_161 = arith.addi %iota3A_128, %add3A_160 : vector<16xi32>
      %and3A_162 = arith.constant 15 : i32
      %and3A_163 = vector.broadcast %and3A_162 : i32 to vector<16xi32>
      %and3A_164 = arith.andi %add3A_161, %and3A_163 : vector<16xi32>
      %broadcast_in_dim3A_165 = vector.shape_cast %and3A_164 : vector<16xi32> to vector<16x1xi32>
      %gather3A_166 = vector.shape_cast %broadcast_in_dim3A_165 : vector<16x1xi32> to vector<16xi32>
      %gather3A_167 = tpu.dynamic_gather %max3A_158[%gather3A_166] in [0] : vector<16xf32>, vector<16xi32> -> vector<16xf32>
      %max3A_168 = arith.maximumf %max3A_158, %gather3A_167 : vector<16xf32>
      %scan3A_169 = arith.constant 0 : i32
      %scan3A_170 = arith.constant 0 : i32
      %scan3A_171 = arith.constant 2048 : i32
      %scan3A_172 = arith.addi %scan3A_170, %scan3A_171 : i32
      %scan3A_173 = arith.constant 1 : i32
      %scan3A_174 = scf.for %scan3A_177 = %scan3A_170 to %scan3A_172 step %scan3A_173 iter_args(%scan3A_178 = %scan3A_169) -> (i32)  : i32 {
        %mul3A_179 = arith.constant 16 : i32
        %mul3A_180 = arith.muli %scan3A_177, %mul3A_179 : i32
        %get3A = arith.index_cast %mul3A_180 : i32 to index
        %get3A_181 = tpu.vector_load %arg5[%get3A] {strides = array<i32>} : memref<32768xf32, #tpu.memory_space<vmem>>, vector<16xf32>,
        %get3A_182 = vector.shape_cast %get3A_181 : vector<16xf32> to vector<16xf32>
        %get3A_183 = arith.index_cast %mul3A_180 : i32 to index
        %get3A_184 = tpu.vector_load %arg4[%get3A_183] {strides = array<i32>} : memref<32768xf32, #tpu.memory_space<vmem>>, vector<16xf32>,
        %get3A_185 = vector.shape_cast %get3A_184 : vector<16xf32> to vector<16xf32>
        %ge3A = arith.cmpf oge, %get3A_182, %max3A_168 : vector<16xf32>
        %max3A_186 = arith.constant 0.000000e+00 : f32
        %max3A_187 = vector.broadcast %max3A_186 : f32 to vector<16xf32>
        %max3A_188 = arith.maximumf %get3A_185, %max3A_187 : vector<16xf32>
        %jit3A = arith.constant 0.000000e+00 : f32
        %broadcast_in_dim3A_189 = vector.broadcast %jit3A : f32 to vector<16xf32>
        %select_n3A = arith.select %ge3A, %max3A_188, %broadcast_in_dim3A_189 : vector<16xi1>, vector<16xf32>
        %swap3A = arith.index_cast %mul3A_180 : i32 to index
        %swap3A_190 = tpu.vector_load %arg4[%swap3A] {strides = array<i32>} : memref<32768xf32, #tpu.memory_space<vmem>>, vector<16xf32>,
        %swap3A_191 = vector.shape_cast %swap3A_190 : vector<16xf32> to vector<16xf32>
        %swap3A_192 = vector.shape_cast %select_n3A : vector<16xf32> to vector<16xf32>
        tpu.vector_store %arg4[%swap3A], %swap3A_192 {strides = array<i32>} : memref<32768xf32, #tpu.memory_space<vmem>>, vector<16xf32>,
        %scan3A_193 = arith.constant 0 : i32
        scf.yield %scan3A_193 : i32
      }
      %scan3A_175 = arith.constant 2048 : i32
      "tpu.region"() ({
        %run_scoped3A = tpu.sem_alloc : memref<!tpu.dma_semaphore, #tpu.memory_space<semaphore_mem>>
        %dma_start3A = arith.constant 0 : i32
        %dma_start3A_177 = tpu.memref_slice %arg3[%add3A_11, %dma_start3A] : memref<128x32768xf32, #tpu.memory_space<hbm>> -> memref<1x32768xf32, #tpu.memory_space<hbm>>
        %dma_start3A_178 = tpu.memref_squeeze %dma_start3A_177 : memref<1x32768xf32, #tpu.memory_space<hbm>> -> memref<32768xf32, #tpu.memory_space<hbm>>
        %dma_start3A_179 = arith.constant 0 : i32
        %dma_start3A_180 = tpu.memref_slice %arg3[%add3A_11, %dma_start3A_179] : memref<128x32768xf32, #tpu.memory_space<hbm>> -> memref<1x32768xf32, #tpu.memory_space<hbm>>
        %dma_start3A_181 = tpu.memref_squeeze %dma_start3A_180 : memref<1x32768xf32, #tpu.memory_space<hbm>> -> memref<32768xf32, #tpu.memory_space<hbm>>
        tpu.enqueue_dma source(%arg4 : memref<32768xf32, #tpu.memory_space<vmem>>) target(%dma_start3A_181 : memref<32768xf32, #tpu.memory_space<hbm>>) target_semaphore(%run_scoped3A : memref<!tpu.dma_semaphore, #tpu.memory_space<semaphore_mem>>)
        %dma_wait3A = arith.constant 0 : i32
        %dma_wait3A_182 = tpu.memref_slice %arg3[%add3A_11, %dma_wait3A] : memref<128x32768xf32, #tpu.memory_space<hbm>> -> memref<1x32768xf32, #tpu.memory_space<hbm>>
        %dma_wait3A_183 = tpu.memref_squeeze %dma_wait3A_182 : memref<1x32768xf32, #tpu.memory_space<hbm>> -> memref<32768xf32, #tpu.memory_space<hbm>>
        %dma_wait3A_184 = arith.constant 0 : i32
        %dma_wait3A_185 = tpu.memref_slice %arg3[%add3A_11, %dma_wait3A_184] : memref<128x32768xf32, #tpu.memory_space<hbm>> -> memref<1x32768xf32, #tpu.memory_space<hbm>>
        %dma_wait3A_186 = tpu.memref_squeeze %dma_wait3A_185 : memref<1x32768xf32, #tpu.memory_space<hbm>> -> memref<32768xf32, #tpu.memory_space<hbm>>
        tpu.wait_dma2 semaphore(%run_scoped3A : memref<!tpu.dma_semaphore, #tpu.memory_space<semaphore_mem>>) src(%arg4 : memref<32768xf32, #tpu.memory_space<vmem>>) dst(%dma_wait3A_186 : memref<32768xf32, #tpu.memory_space<hbm>>)
        tpu.yield
      }) : () -> ()
      %scan3A_176 = arith.constant 0 : i32
      scf.yield %scan3A_176 : i32
    }
    %scan3A_6 = arith.constant 4 : i32
    return
  }
}

</mosaic_0001>

<sc_bundles>
// kernel: kernel.3.cloned.1.call-start
scs
__scs_entry_jumppad:
0x0: {  	(pc) =	sbr.rel $0x88, $3  }
0x1: {  	(tag) =	ssettag $0x0;
	lr =	simm.s32 $0x1  }
0x2: {  	[smem:$0x3FA0] =	sst lr;
	_ =	strace $0xD0000000  }
0x3: {  	_ = 	snop  }
0x4: {  	_ = 	snop  }
0x5: {  	_ = 	snop  }
0x6: {  	_ = 	snop  }
0x7: {  	_ = 	snop  }
__scs_overlays_trampoline_lowered:
0x8: {  	[smem:$0x3FAF] =	sst s0  }
0x9: {  	[smem:$0x3FB0] =	sst s1  }
0xa: {  	[smem:$0x3FB1] =	sst s2  }
0xb: {  	[smem:$0x3FB2] =	sst s3  }
0xc: {  	[smem:$0x3FB3] =	sst s4  }
0xd: {  	[smem:$0x3FB4] =	sst s5  }
0xe: {  	[smem:$0x3FB5] =	sst s6  }
0xf: {  	[smem:$0x3FB6] =	sst s7  }
0x10: {  	[smem:$0x3FB7] =	sst s8  }
0x11: {  	[smem:$0x3FB8] =	sst s9;
	s0 =	simm.s32 @!p0 $0x0  }
0x12: {  	s1 =	sld [smem:$0x3F9E];
	s0 =	simm.s32 @p0 $0x1  }
0x13: {  	[smem:$0x3FB9] =	sst s0;
	s0 =	simm.s32 @!p1 $0x0  }
0x14: {  	s2 =	sld [smem:$0x3F9D];
	s0 =	simm.s32 @p1 $0x1  }
0x15: {  	[smem:$0x3FBA] =	sst s0;
	s0 =	simm.s32 @!p2 $0x0  }
0x16: {  	s3 =	sld [smem:$0x3FDB];
	s0 =	simm.s32 @p2 $0x1  }
0x17: {  	s4 =	simm.s32 $0x1BF5;
	[smem:$0x3FBC] =	sst s0  }
0x18: {  	s0 =	sld [smem:$0x3F9F];
	_ =	swait.ge [sflag:s4], $0x0  }
0x19: {  	s7 =	sld [smem:$0x3FA0]  }
0x1a: {  	s8 =	sadd.s32 $0xFFFFE003, lr  }
0x1b: {  	s9 =	sadd.s32 $0xFFFFFEF7, lr;
	s5 =	simm.s32 $0xFFFFFFFF;
	p2 =	slt.u32 s8, $0xFFFFF086  }
0x1c: {  	p1 =	slt.u32 s9, $0xF7A;
	s5 =	simm.s32 @!p2 $0x0  }
0x1d: {  	s5 =	simm.s32 @p1 $0x1;
	p0 =	seq.s32 s7, s2  }
0x1e: {  	s7 =	smul.u32 @!p0 $0xF7A, s2;
	p2 =	seq.s32 @!p0 s5, $0x0  }
0x1f: {  	s9 =	smul.u32 $0xF7A, s1;
	s8 =	simm.s32 @!p0 $0x1BF5;
	p2 =	por !p2, p0  }
0x20: {  	[sflag:s8] =	ssyncset.s32 @!p0 $0xFFFFF086;
	s6 =	sadd.s32 @!p0 s3, s7;
	s7 =	simm.s32 @!p0 $0x108  }
0x21: {  	s3 =	sadd.s32 s3, s9;
	s6 =	sadd.s32 @!p0 $0x88, s6;
	s7 =	simm.s32 @p2 $0x1082  }
0x22: {  	[simem:s7], [sflag:s8] =	dma.local @!p0 [hbm:s6], $0xF7A  }
0x23: {  	s9 =	sor.u32 $0xD0000000, s2;
	s6 =	simm.s32 $0x108;
	_ =	swait.ge @!p0 [sflag:s8], $0x0  }
0x24: {  	s3 =	sadd.s32 $0x88, s3;
	s6 =	simm.s32 @!p1 $0x1082;
	[sflag:s4] =	ssyncset.s32 $0xFFFFF086  }
0x25: {  	[simem:s6], [sflag:s4] =	dma.local [hbm:s3], $0xF7A  }
0x26: {  	[smem:$0x3FA0] =	sst s1;
	(tag) =	ssettag s2;
	_ =	strace s9  }
0x27: {  	s1 =	sld [smem:$0x3FB0]  }
0x28: {  	s2 =	sld [smem:$0x3FB1]  }
0x29: {  	s4 =	sld [smem:$0x3FB3]  }
0x2a: {  	p0 =	seq.s32 s5, $0x0;
	s5 =	sld [smem:$0x3FB4]  }
0x2b: {  	s6 =	sld [smem:$0x3FB5]  }
0x2c: {  	s7 =	sld [smem:$0x3FB6]  }
0x2d: {  	s3 =	simm.s32 $0x108;
	s8 =	sld [smem:$0x3FB7]  }
0x2e: {  	s3 =	simm.s32 @!p0 $0x1082;
	s9 =	sld [smem:$0x3FB8]  }
0x2f: {  	lr =	sadd.s32 s0, s3;
	s0 =	sld [smem:$0x3FAF]  }
0x30: {  	s3 =	sld [smem:$0x3FB2]  }
0x31: {  	[smem:$0x3FBB] =	sst s10  }
0x32: {  	s10 =	sld [smem:$0x3FB9];
	_ =	sdelay $0x3  }
0x33: {  	p0 =	seq.s32 s10, $0x1;
	s10 =	sld [smem:$0x3FBB];
	_ =	sdelay $0x3  }
0x34: {  	[smem:$0x3FBB] =	sst s10  }
0x35: {  	s10 =	sld [smem:$0x3FBA];
	_ =	sdelay $0x3  }
0x36: {  	p1 =	seq.s32 s10, $0x1;
	s10 =	sld [smem:$0x3FBB];
	_ =	sdelay $0x3  }
0x37: {  	[smem:$0x3FBB] =	sst s10  }
0x38: {  	s10 =	sld [smem:$0x3FBC]  }
0x39: {  	_ = 	snop;
	(pc) =	sbr.ind lr, $3  }
0x3a: {  	_ = 	snop  }
0x3b: {  	_ = 	snop  }
0x3c: {  	p2 =	seq.s32 s10, $0x1;
	s10 =	sld [smem:$0x3FBB]  }
0x3d: {  	_ =	shalt  }
0x3e: {  	_ =	shalt  }
0x3f: {  	_ =	shalt  }
0x40: {  	_ =	shalt  }
0x41: {  	_ =	shalt  }
0x42: {  	_ =	shalt  }
0x43: {  	_ =	shalt  }
0x44: {  	_ =	shalt  }
0x45: {  	_ =	shalt  }
0x46: {  	_ =	shalt  }
0x47: {  	_ =	shalt  }
0x48: {  	_ =	shalt  }
0x49: {  	_ =	shalt  }
0x4a: {  	_ =	shalt  }
0x4b: {  	_ =	shalt  }
0x4c: {  	_ =	shalt  }
0x4d: {  	_ =	shalt  }
0x4e: {  	_ =	shalt  }
0x4f: {  	_ =	shalt  }
0x50: {  	_ =	shalt  }
0x51: {  	_ =	shalt  }
0x52: {  	_ =	shalt  }
0x53: {  	_ =	shalt  }
0x54: {  	_ =	shalt  }
0x55: {  	_ =	shalt  }
0x56: {  	_ =	shalt  }
0x57: {  	_ =	shalt  }
0x58: {  	_ =	shalt  }
0x59: {  	_ =	shalt  }
0x5a: {  	_ =	shalt  }
0x5b: {  	_ =	shalt  }
0x5c: {  	_ =	shalt  }
0x5d: {  	_ =	shalt  }
0x5e: {  	_ =	shalt  }
0x5f: {  	_ =	shalt  }
0x60: {  	_ =	shalt  }
0x61: {  	_ =	shalt  }
0x62: {  	_ =	shalt  }
0x63: {  	_ =	shalt  }
0x64: {  	_ =	shalt  }
0x65: {  	_ =	shalt  }
0x66: {  	_ =	shalt  }
0x67: {  	_ =	shalt  }
0x68: {  	_ =	shalt  }
0x69: {  	_ =	shalt  }
0x6a: {  	_ =	shalt  }
0x6b: {  	_ =	shalt  }
0x6c: {  	_ =	shalt  }
0x6d: {  	_ =	shalt  }
0x6e: {  	_ =	shalt  }
0x6f: {  	_ =	shalt  }
0x70: {  	_ =	shalt  }
0x71: {  	_ =	shalt  }
0x72: {  	_ =	shalt  }
0x73: {  	_ =	shalt  }
0x74: {  	_ =	shalt  }
0x75: {  	_ =	shalt  }
0x76: {  	_ =	shalt  }
0x77: {  	_ =	shalt  }
0x78: {  	_ =	shalt  }
0x79: {  	_ =	shalt  }
0x7a: {  	_ =	shalt  }
0x7b: {  	_ =	shalt  }
0x7c: {  	_ =	shalt  }
0x7d: {  	_ =	shalt  }
0x7e: {  	_ =	shalt  }
0x7f: {  	_ =	shalt  }
0x80: {  	_ =	shalt  }
0x81: {  	_ =	shalt  }
0x82: {  	_ =	shalt  }
0x83: {  	_ =	shalt  }
0x84: {  	_ =	shalt  }
0x85: {  	_ =	shalt  }
0x86: {  	_ =	shalt  }
0x87: {  	_ =	shalt  }
.Lfunc_end0:
.L_simem_size_0:
called_computation_lowered:
.L_overlay_start_0:
0x88: {  	s2 =	sld [smem:$0x3FD9]  }
0x89: {  	s3 =	sld [smem:$0x3FFE];
	_ =	sdelay $0x1  }
0x8a: {  	s1 =	srdreg.scid  }
0x8b: {  	s0 =	sand.u32 $0x1, s1  }
0x8c: {  	s18 =	sshll.u32 s0, $0xA;
	s2 =	sadd.s32 s3, s2  }
0x8d: {  	s2 =	sadd.s32 s2, s18  }
0x8e: {  	[smem:$0x3FC7] =	sst s2  }
0x8f: {  	_ = 	snop  }
0x90: {  	s2 =	sld [smem:$0x3FC9]  }
0x91: {  	s19 =	sld [smem:$0x3FD0];
	(tm) =	ssettm $0x1  }
0x92: {  	s4 =	sld [smem:$0x3FFB];
	_ =	sdelay $0x3  }
0x93: {  	_ =	strace s4  }
0x94: {  	s4 =	sld [smem:$0x3FFC];
	_ =	sdelay $0x3  }
0x95: {  	_ =	strace s4  }
0x96: {  	s4 =	sld [smem:$0x3FFD];
	_ =	sdelay $0x3  }
0x97: {  	_ =	strace s4  }
0x98: {  	_ =	strace $0x8FFFFFFF  }
0x99: {  	s20 =	sld [smem:$0x3FDB];
	_ =	sdelay $0x1  }
0x9a: {  	s5 =	simm.s32 $_scs_section_size  }
0x9b: {  	s6 =	simm.s32 $_size__tile_overlayer_lowered;
	s7 =	simm.s32 $_tile_overlayer_lowered  }
0x9c: {  	s23 =	simm.s32 $0x1BFF;
	s22 =	sshll.u32 s7, $0x1;
	s4 =	sadd.s32 s5, s20  }
0x9d: {  	s8 =	simm.s32 $0x0;
	s21 =	sshll.u32 s6, $0x1;
	s6 =	sadd.s32 s22, s4  }
0x9e: {  	[timem:s8], [sflag:s23] =	dma.local [hbm:s6], s21  }
0x9f: {  	_ =	swait.ge [sflag:s23], s21  }
0xa0: {  	s5 =	ssub.s32 $0x0, s21;
	[sflag:s23] =	ssyncset.done $0x0  }
0xa1: {  	[sflag:s23] =	ssyncadd.s32 s5;
	_ =	sdelay $0x1  }
0xa2: {  	s24 =	simm.s32 $0x1B8B  }
0xa3: {  	_ =	swait.ge [sflag:s24], $0x1  }
0xa4: {  	[sflag:s24] =	ssyncset.done $0x0  }
0xa5: {  	s25 =	simm.s32 $0x1B8E;
	[sflag:s24] =	ssyncadd.s32 $0xFFFFFFFF  }
0xa6: {  	s26 =	simm.s32 $execute0_lowered;
	[smem:$0x3FD2] =	sst s25  }
0xa7: {  	s5 =	sshll.u32 s26, $0x1;
	_ =	strace $0x80000046;
	[dreg:$0x1] =	wrdreg $0xFFFFFFFF  }
0xa8: {  	s28 =	simm.s32 $_size_execute0_lowered;
	s4 =	sadd.s32 s4, s5;
	[dreg:$0x0] =	wrdreg $0x0  }
0xa9: {  	s5 =	sshll.u32 s28, $0x1;
	[dreg:$0x2] =	wrdreg s4  }
0xaa: {  	[dreg:$0x3] =	wrdreg s5  }
0xab: {  	[dreg:$0x4] =	wrdreg $0xC0  }
0xac: {  	_ =	task [dreg:s8], $0x5FFFF  }
0xad: {  	[dreg:$0x1] =	wrdreg $0xFFFFFFFF  }
0xae: {  	[dreg:$0x0] =	wrdreg $0x60  }
0xaf: {  	[dreg:$0x2] =	wrdreg s2  }
0xb0: {  	[dreg:$0x3] =	wrdreg s19  }
0xb1: {  	[dreg:$0x4] =	wrdreg $0x9  }
0xb2: {  	_ =	task.clear_ibuf [dreg:s8], $0x5FFFF;
	_ =	strace $0x90000046  }
0xb3: {  	s29 =	simm.s32 $0x9;
	_ =	strace $0x80000048  }
0xb4: {  	_ =	swait.ge [sflag:s29], $0x1  }
0xb5: {  	[sflag:s29] =	ssyncadd.s32 $0xFFFFFFFF  }
0xb6: {  	_ =	strace $0x90000048  }
0xb7: {  	_ =	sfence  }
0xb8: {  	s30 =	sld [smem:$0x0];
	_ =	sdelay $0x2  }
0xb9: {  	s31 =	sshll.u32 s1, $0xD;
	s1 =	sshrl.u32 s1, $0x2  }
0xba: {  	s3 =	sand.u32 $0x4000, s31;
	s1 =	sadd.s32 s1, s30  }
0xbb: {  	s0 =	sor.u32 s3, s0;
	s1 =	sshll.u32 s1, $0x11  }
0xbc: {  	s0 =	sor.u32 s1, s0  }
0xbd: {  	s0 =	sadd.s32 $0x8F2B, s0  }
0xbe: {  	[sflag:s0] =	ssyncadd.remote.s32 $0x1  }
0xbf: {  	_ =	sfence.sel $0xFFFF  }
0xc0: {  	[dreg:$0x0] =	wrdreg $0xFFFFFFFF;
	(pc) =	sbr.abs _section_cstart, $3  }
0xc1: {  	[dreg:$0x1] =	wrdreg $0xFFFFFFFF  }
0xc2: {  	_ =	task.clear_ibuf [dreg:s8], $0x2FFFF;
	_ =	strace $0x9FFFFFFF  }
0xc3: {  	(tm) =	ssettm $0x7FFFFFFF  }
tec
execute0_lowered:
.L_overlay_start_1:
0x0: {  	(tag) =	ssettag $0x1  }
0x1: {  	v0 =	vimm.s32 $0xFEDCBA98  }
0x2: {  	v1 =	vimm.s32 $0x76543210;
	v2 =	vimm.s32 $0x3210FEDC;
	v3 =	vimm.s32 $0xBA987654  }
0x3: {  	v4 =	vimm.s32 $0x10FEDCBA;
	v5 =	vimm.s32 $0x98765432;
	v6 =	vimm.s32 $0xFEDCBA9  }
0x4: {  	s0 =	rddreg [dreg:$0x0];
	v7 =	vimm.s32 $0x87654321;
	v0 =	vunpack.c.l.s4.s8 v0;
	v1 =	vunpack.c.l.s4.s8 v1  }
0x5: {  	s2 =	rddreg [dreg:$0x1];
	v2 =	vunpack.c.l.s4.s8 v2;
	v3 =	vunpack.c.l.s4.s8 v3;
	v4 =	vunpack.c.l.s4.s8 v4  }
0x6: {  	s4 =	srdreg.scid;
	s1 =	rddreg [dreg:$0x2];
	s3 =	simm.s32 $0x0;
	v5 =	vunpack.c.l.s4.s8 v5;
	v6 =	vunpack.c.l.s4.s8 v6;
	v7 =	vunpack.c.l.s4.s8 v7  }
0x7: {  	s8 =	simm.s32 $0x400;
	s9 =	simm.s32 $0x1;
	s5 =	sand.u32 $0x1, s4;
	v0 =	vunpack.c.0.s8.s32 v0;
	v1 =	vunpack.c.0.s8.s32 v1;
	v2 =	vunpack.c.0.s8.s32 v2  }
0x8: {  	s10 =	simm.s32 $0x0;
	[smem:$0x7FF] =	sst s3;
	s6 =	ssub.s32 $0x2, s5;
	v3 =	vunpack.c.0.s8.s32 v3;
	v4 =	vunpack.c.0.s8.s32 v4;
	v5 =	vunpack.c.0.s8.s32 v5  }
0x9: {  	s4 =	stileid.u32;
	_ =	strace $0x80000047;
	s7 =	sshrl.u32 s6, $0x1;
	v6 =	vunpack.c.0.s8.s32 v6;
	v7 =	vunpack.c.0.s8.s32 v7;
	v0 =	vand.u32 $0xF, v0  }
0xa: {  	s31 =	sshll.u32 s4, $0xF;
	s5 =	sshll.u32 s5, $0x6;
	s6 =	ssub.s32 s6, s7;
	v0 =	vcombine.low v0, v1;
	v1 =	vcombine.low v3, v2  }
0xb: {  	s5 =	sor.u32 s31, s5;
	s7 =	simm.s32 $0x80;
	s6 =	smax.u32 s6, $0x1;
	v2 =	vcombine.low v5, v4;
	v3 =	vcombine.low v7, v6  }
.LBB2_1:
0xc: {  	s11 =	simm.s32 $0x0  }
.LBB2_2:
0xd: {  	s12 =	sshll.u32 s11, $0x4  }
0xe: {  	s12 =	sadd.s32 s5, s12  }
0xf: {  	s14 =	simm.s32 $0x0;
	s13 =	sadd.s32 s0, s12  }
0x10: {  	[tilespmem:s14], [sflag:$0x1] =	stream.strided.gather [hbm4b:s13+s7], $0x8000, s8, s7, $0x38;
	[tilespmem:$0x10000] =	vst v63  }
0x11: {  	_ =	swait.ge [sflag:s9], $0x8000  }
0x12: {  	[sflag:s9] =	ssyncset.done $0x0  }
0x13: {  	s31 =	simm.s32 $0x0;
	[sflag:s9] =	ssyncadd.s32 $0xFFFF8000  }
0x14: {  	v4 =	vimm.f32 $-Inf;
	s13 =	simm.s32 $0x40;
	v5 =	vld [tilespmem:s31+$0x0]  }
.LBB2_3:
0x15: {  	p0 =	sne.s32 s13, $0x1FFC0  }
.Ltmp0:
0x16: {  	_ = 	snop;
	(pc) =	sbr.rel @p0 .LBB2_3-.Ltmp0, $3  }
0x17: {  	_ =	sdelay $0x1  }
0x18: {  	s14 =	sshra.s32 s13, $0x2;
	s13 =	sadd.s32 $0x40, s13;
	v4 =	vmax.f32 v4, v5  }
0x19: {  	v5 =	vld [tilespmem:s14+$0x0]  }
0x1a: {  	_ =	sdelay $0x3  }
0x1b: {  	v4 =	vmax.f32 v4, v5  }
0x1c: {  	v5 =	vperm.xlane v4, v0;
	_ =	sdelay $0x1  }
0x1d: {  	v4 =	vmax.f32 v4, v5  }
0x1e: {  	v5 =	vperm.xlane v4, v1;
	_ =	sdelay $0x1  }
0x1f: {  	v4 =	vmax.f32 v4, v5  }
0x20: {  	s13 =	simm.s32 $0x0;
	v5 =	vperm.xlane v4, v2  }
0x21: {  	v6 =	vld [tilespmem:s13+$0x0]  }
0x22: {  	v4 =	vmax.f32 v4, v5  }
0x23: {  	s14 =	simm.s32 $0x10;
	v7 =	vperm.xlane v4, v3  }
0x24: {  	v5 =	vld [tilespmem:s14+$0x0]  }
0x25: {  	v4 =	vmax.f32 v4, v7  }
0x26: {  	v6 =	vsub.f32 v6, v4;
	_ =	sdelay $0x1  }
0x27: {  	v6 =	vmul.f32 $1.442695020e+00, v6  }
0x28: {  	v5 =	vsub.f32 v5, v4  }
0x29: {  	(erf) = vpow2.f32 v6  }
0x2a: {  	v7 =	vmul.f32 $1.442695020e+00, v5  }
0x2b: {  	s15 =	simm.s32 $0x20  }
0x2c: {  	v6 =	vld [tilespmem:s15+$0x0];
	(erf) = vpow2.f32 v7;
	_ =	sdelay $0x2  }
0x2d: {  	s16 =	simm.s32 $0xC0;
	v5 =	vimm.f32 $0.0e+00  }
.LBB2_5:
0x2e: {  	p0 =	sne.s32 s16, $0x1FFC0  }
.Ltmp1:
0x2f: {  	s17 =	sshra.s32 s16, $0x2;
	s16 =	sadd.s32 $0x40, s16;
	v7 =	vsub.f32 v6, v4;
	(pc) =	sbr.rel @p0 .LBB2_5-.Ltmp1, $4  }
0x30: {  	v6 =	vld [tilespmem:s17+$0x0];
	v8 =	vpop (erf)  }
0x31: {  	v7 =	vmul.f32 $1.442695020e+00, v7;
	[tilespmem:s13+$0x8000] =	vst v8;
	v5 =	vadd.f32 v8, v5;
	s13 =	smov.u32 s14;
	s14 =	smov.u32 s15;
	s15 =	smov.u32 s17  }
0x32: {  	_ = 	snop  }
0x33: {  	(erf) = vpow2.f32 v7  }
0x34: {  	_ = 	snop  }
0x35: {  	v4 =	vsub.f32 v6, v4;
	_ =	sdelay $0x1  }
0x36: {  	v4 =	vmul.f32 $1.442695020e+00, v4;
	_ =	sdelay $0x1  }
0x37: {  	(erf) = vpow2.f32 v4;
	_ =	sdelay $0x4  }
0x38: {  	v4 =	vpop (erf)  }
0x39: {  	v5 =	vadd.f32 v4, v5  }
0x3a: {  	v6 =	vpop (erf)  }
0x3b: {  	v5 =	vadd.f32 v6, v5  }
0x3c: {  	v7 =	vpop (erf)  }
0x3d: {  	v5 =	vadd.f32 v7, v5;
	_ =	sdelay $0x1  }
0x3e: {  	v8 =	vperm.xlane v5, v0;
	_ =	sdelay $0x1  }
0x3f: {  	v5 =	vadd.f32 v8, v5;
	_ =	sdelay $0x1  }
0x40: {  	v8 =	vperm.xlane v5, v1;
	_ =	sdelay $0x1  }
0x41: {  	v5 =	vadd.f32 v8, v5;
	_ =	sdelay $0x1  }
0x42: {  	v8 =	vperm.xlane v5, v2;
	_ =	sdelay $0x1  }
0x43: {  	v5 =	vadd.f32 v8, v5;
	_ =	sdelay $0x1  }
0x44: {  	v8 =	vperm.xlane v5, v3;
	_ =	sdelay $0x1  }
0x45: {  	[tilespmem:s13+$0x8000] =	vst v4;
	v4 =	vadd.f32 v8, v5  }
0x46: {  	[tilespmem:s14+$0x8000] =	vst v6;
	v6 =	vimm.s32 $0x3F800001  }
0x47: {  	s13 =	simm.s32 $0x0;
	[tilespmem:s15+$0x8000] =	vst v7;
	v5 =	vmul.f32 $8.999999760e-01, v4;
	v4 =	vmul.f32 $1.525878930e-06, v4  }
.LBB2_7:
0x48: {  	_ = 	snop  }
0x49: {  	s15 =	simm.s32 $0x0;
	v7 =	vxor.u32 v4, v6  }
0x4a: {  	v8 =	vand.u32 v4, v6;
	v9 =	vld [tilespmem:s15+$0x8000];
	v7 =	vshra.s32 v7, $0x1  }
0x4b: {  	s14 =	simm.s32 $0x40;
	v7 =	vadd.s32 v7, v8;
	v8 =	vimm.f32 $0.0e+00  }
.LBB2_8:
0x4c: {  	p0 =	sne.s32 s14, $0x1FFC0  }
.Ltmp2:
0x4d: {  	_ = 	snop;
	(pc) =	sbr.rel @p0 .LBB2_8-.Ltmp2, $4  }
0x4e: {  	_ = 	snop  }
0x4f: {  	s15 =	sshra.s32 s14, $0x2;
	s14 =	sadd.s32 $0x40, s14;
	vm0 =	vge.f32 v9, v7  }
0x50: {  	v10 =	vnsel vm0, $0x0, v9;
	v9 =	vld [tilespmem:s15+$0x8000]  }
0x51: {  	v8 =	vadd.f32 v10, v8  }
0x52: {  	_ =	sdelay $0x2  }
0x53: {  	vm0 =	vge.f32 v9, v7  }
0x54: {  	v9 =	vnsel vm0, $0x0, v9  }
0x55: {  	v8 =	vadd.f32 v9, v8;
	_ =	sdelay $0x1  }
0x56: {  	v9 =	vperm.xlane v8, v0;
	_ =	sdelay $0x1  }
0x57: {  	v8 =	vadd.f32 v9, v8;
	_ =	sdelay $0x1  }
0x58: {  	v9 =	vperm.xlane v8, v1;
	_ =	sdelay $0x1  }
0x59: {  	v8 =	vadd.f32 v9, v8;
	_ =	sdelay $0x1  }
0x5a: {  	v9 =	vperm.xlane v8, v2;
	_ =	sdelay $0x1  }
0x5b: {  	v8 =	vadd.f32 v9, v8  }
0x5c: {  	s13 =	sadd.s32 $0x1, s13  }
0x5d: {  	p0 =	sne.s32 s13, $0x1C;
	v9 =	vperm.xlane v8, v3  }
.Ltmp3:
0x5e: {  	_ = 	snop;
	(pc) =	sbr.rel @p0 .LBB2_7-.Ltmp3, $3  }
0x5f: {  	v8 =	vadd.f32 v9, v8;
	_ =	sdelay $0x1  }
0x60: {  	vm15 =	vge.f32 v8, v5  }
0x61: {  	v4 =	vsel vm15, v7, v4;
	v6 =	vsel vm15, v6, v7  }
0x62: {  	s14 =	simm.s32 $0x0  }
0x63: {  	v6 =	vld [tilespmem:s14+$0x8000]  }
0x64: {  	v5 =	vimm.f32 $0.0e+00;
	s13 =	simm.s32 $0x40  }
.LBB2_11:
0x65: {  	p0 =	sne.s32 s13, $0x1FFC0  }
.Ltmp4:
0x66: {  	_ = 	snop;
	(pc) =	sbr.rel @p0 .LBB2_11-.Ltmp4, $4  }
0x67: {  	_ = 	snop  }
0x68: {  	s14 =	sshra.s32 s13, $0x2;
	s13 =	sadd.s32 $0x40, s13;
	vm0 =	vle.f32 v6, v4  }
0x69: {  	v7 =	vnsel vm0, $0x0, v6;
	v6 =	vld [tilespmem:s14+$0x8000]  }
0x6a: {  	v5 =	vmax.f32 v5, v7  }
0x6b: {  	_ =	sdelay $0x2  }
0x6c: {  	vm0 =	vle.f32 v6, v4  }
0x6d: {  	v4 =	vnsel vm0, $0x0, v6  }
0x6e: {  	v4 =	vmax.f32 v5, v4  }
0x6f: {  	v5 =	vperm.xlane v4, v0;
	_ =	sdelay $0x1  }
0x70: {  	v4 =	vmax.f32 v4, v5  }
0x71: {  	v5 =	vperm.xlane v4, v1;
	_ =	sdelay $0x1  }
0x72: {  	v4 =	vmax.f32 v4, v5  }
0x73: {  	v5 =	vperm.xlane v4, v2;
	_ =	sdelay $0x1  }
0x74: {  	v4 =	vmax.f32 v4, v5  }
0x75: {  	v5 =	vperm.xlane v4, v3  }
0x76: {  	s13 =	simm.s32 $0x0  }
0x77: {  	s14 =	simm.s32 $0x40;
	v4 =	vmax.f32 v4, v5;
	v5 =	vld [tilespmem:s13+$0x8000]  }
.LBB2_13:
0x78: {  	p0 =	sne.s32 s14, $0x1FFC0;
	v6 =	vld [tilespmem:s13+$0x0];
	_ =	sdelay $0x2  }
.Ltmp5:
0x79: {  	(pc) =	sbr.rel @p0 .LBB2_13-.Ltmp5, $4  }
0x7a: {  	_ = 	snop  }
0x7b: {  	vm0 =	vge.f32 v5, v4;
	v5 =	vmax.f32 v6, $0.0e+00  }
0x7c: {  	s15 =	sshra.s32 s14, $0x2;
	v6 =	vnsel vm0, $0x0, v5  }
0x7d: {  	s14 =	sadd.s32 $0x40, s14;
	v5 =	vld [tilespmem:s15+$0x8000];
	[tilespmem:s13+$0x0] =	vst v6;
	s13 =	smov.u32 s15  }
0x7e: {  	v6 =	vld [tilespmem:s13+$0x0];
	_ =	sdelay $0x4  }
0x7f: {  	s11 =	sadd.s32 $0x1, s11;
	vm0 =	vge.f32 v5, v4;
	v4 =	vmax.f32 v6, $0.0e+00  }
0x80: {  	p0 =	sne.s32 s11, $0x4;
	v4 =	vnsel vm0, $0x0, v4  }
.Ltmp6:
0x81: {  	s12 =	sadd.s32 s2, s12;
	[tilespmem:s13+$0x0] =	vst v4;
	(pc) =	sbr.rel @p0 .LBB2_2-.Ltmp6, $4  }
0x82: {  	[hbm4b:s12+s7] =	stream.strided.scatter [tilespmem:s3], [sflag:$0x1], $0x8000, s8, s7, $0x38;
	[tilespmem:$0x10000] =	vst v63  }
0x83: {  	_ =	swait.ge [sflag:s9], $0x8000  }
0x84: {  	[sflag:s9] =	ssyncset.done $0x0  }
0x85: {  	[sflag:s9] =	ssyncadd.s32 $0xFFFF8000  }
0x86: {  	s10 =	sadd.s32 $0x1, s10  }
0x87: {  	p0 =	sne.s32 s10, s6  }
.Ltmp7:
0x88: {  	_ = 	snop;
	(pc) =	sbr.rel @p0 .LBB2_1-.Ltmp7, $1  }
0x89: {  	_ =	sdelay $0x3  }
0x8a: {  	_ =	sfence.sel $0x180000  }
0x8b: {  	[bflag:$0x0] =	sbarrier.arrive $0xFFFF  }
0x8c: {  	p0 =	sne.s32 s4, $0x0;
	_ =	strace $0x90000047  }
0x8d: {  	s0 =	sadd.s32 @!p0 $0x100000, s1;
	[bflag:$0x2] =	sbarrier.arrive $0xFFFF  }
0x8e: {  	[sflag:s0] =	ssyncadd.tile.s32 @!p0 $0x1;
	_ =	shalt  }
.Lfunc_end2:
_tile_overlayer_lowered:
.L_overlay_start_2:
0x8f: {  	(tag) =	ssettag $0x2  }
0x90: {  	s0 =	rddreg [dreg:$0x0];
	s2 =	stileid.u32  }
0x91: {  	s1 =	rddreg [dreg:$0x1];
	p0 =	sne.s32 s2, $0x0  }
0x92: {  	s3 =	rddreg [dreg:$0x2];
	[bflag:$0x3] =	sbarrier.arrive $0xFFFF;
	s2 =	simm.s32 @!p0 $0x1C01  }
0x93: {  	[timem:s3], [sflag:s2] =	dma.local @!p0 [hbm:s0], s1  }
0x94: {  	s0 =	simm.s32 @!p0 $0x1  }
0x95: {  	_ =	swait.ge @!p0 [sflag:s0], s1  }
0x96: {  	s1 =	ssub.s32 @!p0 $0x0, s1;
	[sflag:s0] =	ssyncset.done @!p0 $0x0  }
0x97: {  	[sflag:s0] =	ssyncadd.s32 @!p0 s1  }
0x98: {  	[bflag:$0x3] =	sbarrier.arrive $0xFFFF  }
0x99: {  	_ =	shalt  }

</sc_bundles>
